<compile_context>
chip_gen: v7x
topology: tpu7x:2x2x1
jax: 0.10.2.dev20260603
libtpu: 0.0.44.dev20260713+nightly
codegen_flags: <defaults>
</compile_context>

<pallas_src>
import functools

import jax
import jax.numpy as jnp
from jax import lax
from jax.experimental import pallas as pl
from jax.experimental.pallas import tpu as pltpu
from jax.experimental.pallas import tpu_sc as plsc

_THR = 0.6
_GAMMA = 0.9
_N_POS = 2048
_N_NEG = 8192
_N_TOT = _N_POS + _N_NEG
_CHUNK = 2048
_AP_STEPS = _N_POS // _CHUNK
_AN_STEPS = _N_NEG // _CHUNK
_A_STEPS = _AP_STEPS + _AN_STEPS
_B_STEPS = _N_POS // _CHUNK
_N_STEPS1 = _A_STEPS + _B_STEPS


@functools.cache
def _make_sc_gather():
    info = plsc.get_sparse_core_info()
    nc, ns = info.num_cores, info.num_subcores
    b_per_w = _N_POS // (nc * ns)
    mesh = plsc.VectorSubcoreMesh(core_axis_name="c", subcore_axis_name="s")

    @functools.partial(
        pl.kernel,
        out_type=(
            jax.ShapeDtypeStruct((1, _N_POS), jnp.float32),
            jax.ShapeDtypeStruct((1, _N_POS), jnp.float32),
        ),
        mesh=mesh,
        scratch_types=[
            pltpu.VMEM((b_per_w,), jnp.int32),
            pltpu.VMEM((b_per_w,), jnp.float32),
            pltpu.VMEM((b_per_w,), jnp.float32),
            pltpu.SemaphoreType.DMA,
        ],
    )
    def sc_gather(idx_hbm, u_all_hbm, u_pos_hbm, ua_out, up_out,
                  idx_v, a_v, p_v, sem):
        wid = lax.axis_index("s") * nc + lax.axis_index("c")
        base = wid * b_per_w
        pltpu.sync_copy(idx_hbm.at[pl.ds(base, b_per_w)], idx_v)
        pltpu.async_copy(u_all_hbm.at[idx_v], a_v, sem).wait()
        pltpu.async_copy(u_pos_hbm.at[idx_v], p_v, sem).wait()
        pltpu.sync_copy(a_v, ua_out.at[0, pl.ds(base, b_per_w)])
        pltpu.sync_copy(p_v, up_out.at[0, pl.ds(base, b_per_w)])

    return sc_gather


def _gather_u(index_s, u_all, u_pos):
    return _make_sc_gather()(index_s, u_all.reshape(-1), u_pos.reshape(-1))


def _sums_body(fp_col_ref, fn_col_ref, f_row_ref, idx_col_ref, idx_row_ref,
               s_out, p_out, w_out):
    i = pl.program_id(0)
    g_row = _THR - f_row_ref[...]

    @pl.when(i < _AP_STEPS)
    def _phase_a_pos():
        b = jnp.maximum(g_row + fp_col_ref[...], 0.0)
        part = jnp.sum(b * b, axis=0, keepdims=True)

        @pl.when(i == 0)
        def _():
            s_out[...] = jnp.zeros_like(s_out)
            p_out[...] = jnp.zeros_like(p_out)

        s_out[...] += part
        p_out[...] += part

    @pl.when(jnp.logical_and(i >= _AP_STEPS, i < _A_STEPS))
    def _phase_a_neg():
        b = jnp.maximum(g_row + fn_col_ref[...], 0.0)
        s_out[...] += jnp.sum(b * b, axis=0, keepdims=True)

    @pl.when(i >= _A_STEPS)
    def _phase_b():
        eq = idx_col_ref[...] == idx_row_ref[...]
        kk = (lax.broadcasted_iota(jnp.int32, eq.shape, 0)
              + (i - _A_STEPS) * _CHUNK)
        part = jnp.max(jnp.where(eq, kk, -1), axis=0, keepdims=True)

        @pl.when(i == _A_STEPS)
        def _():
            w_out[...] = part

        @pl.when(i > _A_STEPS)
        def _():
            w_out[...] = jnp.maximum(w_out[...], part)


def _sums(f_ps, f_ns, index_s):
    full = lambda i: (0, 0)
    return pl.pallas_call(
        _sums_body,
        grid=(_N_STEPS1,),
        in_specs=[
            pl.BlockSpec((_CHUNK, 1),
                         lambda i: (jnp.minimum(i, _AP_STEPS - 1), 0)),
            pl.BlockSpec((_CHUNK, 1),
                         lambda i: (jnp.clip(i - _AP_STEPS, 0, _AN_STEPS - 1), 0)),
            pl.BlockSpec((1, _N_POS), full),
            pl.BlockSpec((_CHUNK, 1),
                         lambda i: (jnp.clip(i - _A_STEPS, 0, _B_STEPS - 1), 0)),
            pl.BlockSpec((1, _N_POS), full),
        ],
        out_specs=[
            pl.BlockSpec((1, _N_POS), full),
            pl.BlockSpec((1, _N_POS), full),
            pl.BlockSpec((1, _N_POS), full),
        ],
        out_shape=[
            jax.ShapeDtypeStruct((1, _N_POS), jnp.float32),
            jax.ShapeDtypeStruct((1, _N_POS), jnp.float32),
            jax.ShapeDtypeStruct((1, _N_POS), jnp.int32),
        ],
    )(f_ps.reshape(_N_POS, 1), f_ns.reshape(_N_NEG, 1),
      f_ps.reshape(1, _N_POS), index_s.reshape(_N_POS, 1),
      index_s.reshape(1, _N_POS))


def _combine_body(s_ref, p_ref, s_col_ref, p_col_ref, w_ref, ua0_ref,
                  up0_ref, out_ref):
    w = w_ref[...]
    sw = jnp.zeros((1, _N_POS), jnp.float32)
    pw = jnp.zeros((1, _N_POS), jnp.float32)
    for t in range(_B_STEPS):
        jj = lax.broadcasted_iota(jnp.int32, (_CHUNK, _N_POS), 0) + t * _CHUNK
        ind = jj == w
        sl = pl.ds(t * _CHUNK, _CHUNK)
        sw += jnp.sum(jnp.where(ind, s_col_ref[sl, 0:1], 0.0),
                      axis=0, keepdims=True)
        pw += jnp.sum(jnp.where(ind, p_col_ref[sl, 0:1], 0.0),
                      axis=0, keepdims=True)
    inv_n = 1.0 / _N_TOT
    ua = (1.0 - _GAMMA) * ua0_ref[...] + _GAMMA * (sw * inv_n)
    up = (1.0 - _GAMMA) * up0_ref[...] + _GAMMA * (pw * inv_n)
    term = (up * s_ref[...] - ua * p_ref[...]) / (ua * ua)
    out_ref[...] = jnp.sum(term, axis=1, keepdims=True) * (
        1.0 / (_N_POS * _N_TOT))


def _combine(s, p, w, ua0, up0):
    return pl.pallas_call(
        _combine_body,
        out_shape=jax.ShapeDtypeStruct((1, 1), jnp.float32),
    )(s, p, s.reshape(_N_POS, 1), p.reshape(_N_POS, 1), w, ua0, up0)


def kernel(f_ps, f_ns, index_s, u_all, u_pos):
    ua0, up0 = _gather_u(index_s, u_all, u_pos)
    s, p, w = _sums(f_ps, f_ns, index_s)
    out = _combine(s, p, w, ua0, up0)
    return out[0, 0]

# --- scband reference (transcript-rebuilt; emitter-appended) ---
"""Pipeline reference for scband-soaploss-81389630259714 (READ-ONLY COPY).

The authoritative reference and input builder live on the scoring server;
editing this copy changes nothing except your own understanding.
"""

import jax, jax.numpy as jnp
import numpy as np

DATA_LENGTH = 100000
THRESHOLD = 0.6
GAMMA = 0.9


def setup_inputs(seed: int = 0) -> dict:
    key = jax.random.key(seed)
    k1, k2, k3 = jax.random.split(key, 3)
    f_ps = jax.random.normal(k1, (2048,), dtype=jnp.float32)
    f_ns = jax.random.normal(k2, (8192,), dtype=jnp.float32)
    index_s = jax.random.randint(k3, (2048,), 0, DATA_LENGTH, dtype=jnp.int32)
    u_all = jnp.zeros((DATA_LENGTH, 1), dtype=jnp.float32)
    u_pos = jnp.zeros((DATA_LENGTH, 1), dtype=jnp.float32)
    return {"f_ps": f_ps, "f_ns": f_ns, "index_s": index_s, "u_all": u_all, "u_pos": u_pos}


def reference(f_ps, f_ns, index_s, u_all, u_pos):
    gamma = GAMMA
    f_ps_v = f_ps.reshape(-1)
    f_ns_v = f_ns.reshape(-1)
    n_pos = f_ps_v.shape[0]
    vec_dat = jnp.concatenate([f_ps_v, f_ns_v], axis=0)
    mat_data = jnp.tile(vec_dat[None, :], (n_pos, 1))
    f_col = f_ps_v.reshape(-1, 1)
    neg_mask = jnp.ones_like(mat_data).at[:, :n_pos].set(0.0)
    pos_mask = jnp.zeros_like(mat_data).at[:, :n_pos].set(1.0)
    base = jnp.maximum(THRESHOLD - (f_col - mat_data), jnp.zeros_like(mat_data)) ** 2
    neg_loss = base * neg_mask
    pos_loss = base * pos_mask
    loss = pos_loss + neg_loss
    # moving-average buffer scatter updates (overwrite semantics, as in torch)
    u_all_new = u_all.at[index_s].set((1.0 - gamma) * u_all[index_s] + gamma * loss.mean(axis=1, keepdims=True))
    u_pos_new = u_pos.at[index_s].set((1.0 - gamma) * u_pos[index_s] + gamma * pos_loss.mean(axis=1, keepdims=True))
    ua = u_all_new[index_s]
    up = u_pos_new[index_s]
    p = (up - ua * pos_mask) / (ua ** 2)
    p = jax.lax.stop_gradient(p)
    out = jnp.mean(p * loss)
    return out

if __name__ == "__main__":
    import jax
    _d = setup_inputs()
    print(jax.jit(kernel)(*tuple(_d.values())))

</pallas_src>

<mosaic_0001>
#map = affine_map<(d0, d1) -> (0)>
#map1 = affine_map<(d0, d1) -> (0, 0)>
module attributes {stable_mosaic.version = 14 : i64} {
  func.func @sc_gather(%arg0: i32, %arg1: i32, %arg2: memref<2048xi32, #tpu.memory_space<hbm>>, %arg3: memref<100000xf32, #tpu.memory_space<hbm>>, %arg4: memref<100000xf32, #tpu.memory_space<hbm>>, %arg5: memref<1x2048xf32, #tpu.memory_space<hbm>>, %arg6: memref<1x2048xf32, #tpu.memory_space<hbm>>, %arg7: memref<64xi32, #tpu.memory_space<vmem>>, %arg8: memref<64xf32, #tpu.memory_space<vmem>>, %arg9: memref<64xf32, #tpu.memory_space<vmem>>, %arg10: memref<!tpu.dma_semaphore, #tpu.memory_space<semaphore_mem>>) attributes {dimension_semantics = [#tpu.dimension_semantics<core_parallel>, #tpu.dimension_semantics<subcore_parallel>], iteration_bounds = array<i64: 2, 16>, scalar_prefetch = 0 : i64, scratch_operands = 4 : i64, tpu.core_type = #tpu.core_type<sc_vector_subcore>, window_params = [{transform_indices = #map}, {transform_indices = #map}, {transform_indices = #map}, {transform_indices = #map1}, {transform_indices = #map1}]} {
    %mul3A = arith.constant 2 : i32
    %mul3A_0 = arith.muli %arg1, %mul3A : i32
    %add3A = arith.addi %mul3A_0, %arg0 : i32
    %mul3A_1 = arith.constant 64 : i32
    %mul3A_2 = arith.muli %add3A, %mul3A_1 : i32
    "tpu.region"() ({
      %run_scoped3A_10 = tpu.sem_alloc : memref<!tpu.dma_semaphore, #tpu.memory_space<semaphore_mem>>
      %dma_start3A_11 = tpu.memref_slice %arg2[%mul3A_2] : memref<2048xi32, #tpu.memory_space<hbm>> -> memref<64xi32, #tpu.memory_space<hbm>>
      %dma_start3A_12 = tpu.memref_slice %arg2[%mul3A_2] : memref<2048xi32, #tpu.memory_space<hbm>> -> memref<64xi32, #tpu.memory_space<hbm>>
      tpu.enqueue_dma source(%dma_start3A_12 : memref<64xi32, #tpu.memory_space<hbm>>) target(%arg7 : memref<64xi32, #tpu.memory_space<vmem>>) target_semaphore(%run_scoped3A_10 : memref<!tpu.dma_semaphore, #tpu.memory_space<semaphore_mem>>)
      %dma_wait3A_13 = tpu.memref_slice %arg2[%mul3A_2] : memref<2048xi32, #tpu.memory_space<hbm>> -> memref<64xi32, #tpu.memory_space<hbm>>
      %dma_wait3A_14 = tpu.memref_slice %arg2[%mul3A_2] : memref<2048xi32, #tpu.memory_space<hbm>> -> memref<64xi32, #tpu.memory_space<hbm>>
      tpu.wait_dma2 semaphore(%run_scoped3A_10 : memref<!tpu.dma_semaphore, #tpu.memory_space<semaphore_mem>>) src(%dma_wait3A_14 : memref<64xi32, #tpu.memory_space<hbm>>) dst(%arg7 : memref<64xi32, #tpu.memory_space<vmem>>)
      tpu.yield
    }) : () -> ()
    %dma_start3A = arith.constant 0 : i32
    %dma_start3A_3 = tpu.memref_slice %arg3[%dma_start3A] : memref<100000xf32, #tpu.memory_space<hbm>> -> memref<100000xf32, #tpu.memory_space<hbm>>
    tpu.enqueue_indirect_dma source(%dma_start3A_3 : memref<100000xf32, #tpu.memory_space<hbm>>) target(%arg8 : memref<64xf32, #tpu.memory_space<vmem>>) offsets(%arg7 : memref<64xi32, #tpu.memory_space<vmem>>) semaphore(%arg10 : memref<!tpu.dma_semaphore, #tpu.memory_space<semaphore_mem>>)
    %dma_wait3A = arith.constant 0 : i32
    %dma_wait3A_4 = tpu.memref_slice %arg3[%dma_wait3A] : memref<100000xf32, #tpu.memory_space<hbm>> -> memref<100000xf32, #tpu.memory_space<hbm>>
    tpu.wait_indirect_dma semaphore(%arg10 : memref<!tpu.dma_semaphore, #tpu.memory_space<semaphore_mem>>) src(%dma_wait3A_4 : memref<100000xf32, #tpu.memory_space<hbm>>) dst(%arg8 : memref<64xf32, #tpu.memory_space<vmem>>)
    %dma_start3A_5 = arith.constant 0 : i32
    %dma_start3A_6 = tpu.memref_slice %arg4[%dma_start3A_5] : memref<100000xf32, #tpu.memory_space<hbm>> -> memref<100000xf32, #tpu.memory_space<hbm>>
    tpu.enqueue_indirect_dma source(%dma_start3A_6 : memref<100000xf32, #tpu.memory_space<hbm>>) target(%arg9 : memref<64xf32, #tpu.memory_space<vmem>>) offsets(%arg7 : memref<64xi32, #tpu.memory_space<vmem>>) semaphore(%arg10 : memref<!tpu.dma_semaphore, #tpu.memory_space<semaphore_mem>>)
    %dma_wait3A_7 = arith.constant 0 : i32
    %dma_wait3A_8 = tpu.memref_slice %arg4[%dma_wait3A_7] : memref<100000xf32, #tpu.memory_space<hbm>> -> memref<100000xf32, #tpu.memory_space<hbm>>
    tpu.wait_indirect_dma semaphore(%arg10 : memref<!tpu.dma_semaphore, #tpu.memory_space<semaphore_mem>>) src(%dma_wait3A_8 : memref<100000xf32, #tpu.memory_space<hbm>>) dst(%arg9 : memref<64xf32, #tpu.memory_space<vmem>>)
    %run_scoped3A = arith.constant 0 : i32
    "tpu.region"() ({
      %run_scoped3A_10 = tpu.sem_alloc : memref<!tpu.dma_semaphore, #tpu.memory_space<semaphore_mem>>
      %dma_start3A_11 = tpu.memref_slice %arg5[%run_scoped3A, %mul3A_2] : memref<1x2048xf32, #tpu.memory_space<hbm>> -> memref<1x64xf32, #tpu.memory_space<hbm>>
      %dma_start3A_12 = tpu.memref_squeeze %dma_start3A_11 : memref<1x64xf32, #tpu.memory_space<hbm>> -> memref<64xf32, #tpu.memory_space<hbm>>
      %dma_start3A_13 = tpu.memref_slice %arg5[%run_scoped3A, %mul3A_2] : memref<1x2048xf32, #tpu.memory_space<hbm>> -> memref<1x64xf32, #tpu.memory_space<hbm>>
      %dma_start3A_14 = tpu.memref_squeeze %dma_start3A_13 : memref<1x64xf32, #tpu.memory_space<hbm>> -> memref<64xf32, #tpu.memory_space<hbm>>
      tpu.enqueue_dma source(%arg8 : memref<64xf32, #tpu.memory_space<vmem>>) target(%dma_start3A_14 : memref<64xf32, #tpu.memory_space<hbm>>) target_semaphore(%run_scoped3A_10 : memref<!tpu.dma_semaphore, #tpu.memory_space<semaphore_mem>>)
      %dma_wait3A_15 = tpu.memref_slice %arg5[%run_scoped3A, %mul3A_2] : memref<1x2048xf32, #tpu.memory_space<hbm>> -> memref<1x64xf32, #tpu.memory_space<hbm>>
      %dma_wait3A_16 = tpu.memref_squeeze %dma_wait3A_15 : memref<1x64xf32, #tpu.memory_space<hbm>> -> memref<64xf32, #tpu.memory_space<hbm>>
      %dma_wait3A_17 = tpu.memref_slice %arg5[%run_scoped3A, %mul3A_2] : memref<1x2048xf32, #tpu.memory_space<hbm>> -> memref<1x64xf32, #tpu.memory_space<hbm>>
      %dma_wait3A_18 = tpu.memref_squeeze %dma_wait3A_17 : memref<1x64xf32, #tpu.memory_space<hbm>> -> memref<64xf32, #tpu.memory_space<hbm>>
      tpu.wait_dma2 semaphore(%run_scoped3A_10 : memref<!tpu.dma_semaphore, #tpu.memory_space<semaphore_mem>>) src(%arg8 : memref<64xf32, #tpu.memory_space<vmem>>) dst(%dma_wait3A_18 : memref<64xf32, #tpu.memory_space<hbm>>)
      tpu.yield
    }) : () -> ()
    %run_scoped3A_9 = arith.constant 0 : i32
    "tpu.region"() ({
      %run_scoped3A_10 = tpu.sem_alloc : memref<!tpu.dma_semaphore, #tpu.memory_space<semaphore_mem>>
      %dma_start3A_11 = tpu.memref_slice %arg6[%run_scoped3A_9, %mul3A_2] : memref<1x2048xf32, #tpu.memory_space<hbm>> -> memref<1x64xf32, #tpu.memory_space<hbm>>
      %dma_start3A_12 = tpu.memref_squeeze %dma_start3A_11 : memref<1x64xf32, #tpu.memory_space<hbm>> -> memref<64xf32, #tpu.memory_space<hbm>>
      %dma_start3A_13 = tpu.memref_slice %arg6[%run_scoped3A_9, %mul3A_2] : memref<1x2048xf32, #tpu.memory_space<hbm>> -> memref<1x64xf32, #tpu.memory_space<hbm>>
      %dma_start3A_14 = tpu.memref_squeeze %dma_start3A_13 : memref<1x64xf32, #tpu.memory_space<hbm>> -> memref<64xf32, #tpu.memory_space<hbm>>
      tpu.enqueue_dma source(%arg9 : memref<64xf32, #tpu.memory_space<vmem>>) target(%dma_start3A_14 : memref<64xf32, #tpu.memory_space<hbm>>) target_semaphore(%run_scoped3A_10 : memref<!tpu.dma_semaphore, #tpu.memory_space<semaphore_mem>>)
      %dma_wait3A_15 = tpu.memref_slice %arg6[%run_scoped3A_9, %mul3A_2] : memref<1x2048xf32, #tpu.memory_space<hbm>> -> memref<1x64xf32, #tpu.memory_space<hbm>>
      %dma_wait3A_16 = tpu.memref_squeeze %dma_wait3A_15 : memref<1x64xf32, #tpu.memory_space<hbm>> -> memref<64xf32, #tpu.memory_space<hbm>>
      %dma_wait3A_17 = tpu.memref_slice %arg6[%run_scoped3A_9, %mul3A_2] : memref<1x2048xf32, #tpu.memory_space<hbm>> -> memref<1x64xf32, #tpu.memory_space<hbm>>
      %dma_wait3A_18 = tpu.memref_squeeze %dma_wait3A_17 : memref<1x64xf32, #tpu.memory_space<hbm>> -> memref<64xf32, #tpu.memory_space<hbm>>
      tpu.wait_dma2 semaphore(%run_scoped3A_10 : memref<!tpu.dma_semaphore, #tpu.memory_space<semaphore_mem>>) src(%arg9 : memref<64xf32, #tpu.memory_space<vmem>>) dst(%dma_wait3A_18 : memref<64xf32, #tpu.memory_space<hbm>>)
      tpu.yield
    }) : () -> ()
    return
  }
}

module attributes {stable_mosaic.version = 14 : i64} {
  func.func @_sums_body(%arg0: i32, %arg1: memref<2048x1xf32, #tpu.memory_space<vmem>>, %arg2: memref<2048x1xf32, #tpu.memory_space<vmem>>, %arg3: memref<1x2048xf32, #tpu.memory_space<vmem>>, %arg4: memref<2048x1xi32, #tpu.memory_space<vmem>>, %arg5: memref<1x2048xi32, #tpu.memory_space<vmem>>, %arg6: memref<1x2048xf32, #tpu.memory_space<vmem>>, %arg7: memref<1x2048xf32, #tpu.memory_space<vmem>>, %arg8: memref<1x2048xi32, #tpu.memory_space<vmem>>) attributes {dimension_semantics = [#tpu.dimension_semantics<arbitrary>], iteration_bounds = array<i64: 6>, scalar_prefetch = 0 : i64, scratch_operands = 0 : i64, tpu.core_type = #tpu.core_type<tc>, window_params = [{transform_indices = @transform_0, window_bounds = array<i64: 2048, 1>}, {transform_indices = @transform_1, window_bounds = array<i64: 2048, 1>}, {pipeline_mode = #tpu.pipeline_mode<synchronous>, transform_indices = @transform_2, window_bounds = array<i64: 1, 2048>}, {transform_indices = @transform_3, window_bounds = array<i64: 2048, 1>}, {pipeline_mode = #tpu.pipeline_mode<synchronous>, transform_indices = @transform_4, window_bounds = array<i64: 1, 2048>}, {pipeline_mode = #tpu.pipeline_mode<synchronous>, transform_indices = @transform_5, window_bounds = array<i64: 1, 2048>}, {pipeline_mode = #tpu.pipeline_mode<synchronous>, transform_indices = @transform_6, window_bounds = array<i64: 1, 2048>}, {pipeline_mode = #tpu.pipeline_mode<synchronous>, transform_indices = @transform_7, window_bounds = array<i64: 1, 2048>}]} {
    %get3A = arith.constant 0 : index
    %get3A_0 = arith.constant 0 : index
    %get3A_1 = vector.load %arg3[%get3A, %get3A_0] : memref<1x2048xf32, #tpu.memory_space<vmem>>, vector<1x2048xf32>
    %sub3A = arith.constant 6.000000e-01 : f32
    %sub3A_2 = vector.broadcast %sub3A : f32 to vector<1x2048xf32>
    %sub3A_3 = arith.subf %sub3A_2, %get3A_1 : vector<1x2048xf32>
    %lt3A = arith.constant 1 : i32
    %lt3A_4 = arith.cmpi slt, %arg0, %lt3A : i32
    %convert_element_type3A = arith.extui %lt3A_4 : i1 to i32
    %cond3A = arith.constant 0 : i32
    %cond3A_5 = arith.cmpi ne, %convert_element_type3A, %cond3A : i32
    scf.if %cond3A_5 {
      %get3A_17 = arith.constant 0 : index
      %get3A_18 = arith.constant 0 : index
      %get3A_19 = vector.load %arg1[%get3A_17, %get3A_18] : memref<2048x1xf32, #tpu.memory_space<vmem>>, vector<2048x1xf32>
      %add3A = vector.broadcast %sub3A_3 : vector<1x2048xf32> to vector<2048x2048xf32>
      %add3A_20 = vector.broadcast %get3A_19 : vector<2048x1xf32> to vector<2048x2048xf32>
      %add3A_21 = arith.addf %add3A, %add3A_20 : vector<2048x2048xf32>
      %max3A = arith.constant 0.000000e+00 : f32
      %max3A_22 = vector.broadcast %max3A : f32 to vector<2048x2048xf32>
      %max3A_23 = arith.maximumf %add3A_21, %max3A_22 : vector<2048x2048xf32>
      %mul3A = arith.mulf %max3A_23, %max3A_23 : vector<2048x2048xf32>
      %reduce_sum3A = arith.constant dense<0.000000e+00> : vector<2048xf32>
      %reduce_sum3A_24 = vector.multi_reduction <add>, %mul3A, %reduce_sum3A [0] : vector<2048x2048xf32> to vector<2048xf32>
      %broadcast_in_dim3A = vector.shape_cast %reduce_sum3A_24 : vector<2048xf32> to vector<1x2048xf32>
      %eq3A = arith.constant 0 : i32
      %eq3A_25 = arith.cmpi eq, %arg0, %eq3A : i32
      %convert_element_type3A_26 = arith.extui %eq3A_25 : i1 to i32
      %cond3A_27 = arith.constant 0 : i32
      %cond3A_28 = arith.cmpi ne, %convert_element_type3A_26, %cond3A_27 : i32
      scf.if %cond3A_28 {
        %broadcast_in_dim3A_42 = arith.constant 0.000000e+00 : f32
        %broadcast_in_dim3A_43 = vector.broadcast %broadcast_in_dim3A_42 : f32 to vector<1x2048xf32>
        %swap3A_44 = arith.constant 0 : index
        %swap3A_45 = arith.constant 0 : index
        %swap3A_46 = vector.load %arg6[%swap3A_44, %swap3A_45] : memref<1x2048xf32, #tpu.memory_space<vmem>>, vector<1x2048xf32>
        tpu.vector_store %arg6[%swap3A_44, %swap3A_45], %broadcast_in_dim3A_43 {strides = array<i32>} : memref<1x2048xf32, #tpu.memory_space<vmem>>, vector<1x2048xf32>,
        %broadcast_in_dim3A_47 = arith.constant 0.000000e+00 : f32
        %broadcast_in_dim3A_48 = vector.broadcast %broadcast_in_dim3A_47 : f32 to vector<1x2048xf32>
        %swap3A_49 = arith.constant 0 : index
        %swap3A_50 = arith.constant 0 : index
        %swap3A_51 = vector.load %arg7[%swap3A_49, %swap3A_50] : memref<1x2048xf32, #tpu.memory_space<vmem>>, vector<1x2048xf32>
        tpu.vector_store %arg7[%swap3A_49, %swap3A_50], %broadcast_in_dim3A_48 {strides = array<i32>} : memref<1x2048xf32, #tpu.memory_space<vmem>>, vector<1x2048xf32>,
      } else {
      }
      %get3A_29 = arith.constant 0 : index
      %get3A_30 = arith.constant 0 : index
      %get3A_31 = vector.load %arg6[%get3A_29, %get3A_30] : memref<1x2048xf32, #tpu.memory_space<vmem>>, vector<1x2048xf32>
      %add3A_32 = arith.addf %get3A_31, %broadcast_in_dim3A : vector<1x2048xf32>
      %swap3A = arith.constant 0 : index
      %swap3A_33 = arith.constant 0 : index
      %swap3A_34 = vector.load %arg6[%swap3A, %swap3A_33] : memref<1x2048xf32, #tpu.memory_space<vmem>>, vector<1x2048xf32>
      tpu.vector_store %arg6[%swap3A, %swap3A_33], %add3A_32 {strides = array<i32>} : memref<1x2048xf32, #tpu.memory_space<vmem>>, vector<1x2048xf32>,
      %get3A_35 = arith.constant 0 : index
      %get3A_36 = arith.constant 0 : index
      %get3A_37 = vector.load %arg7[%get3A_35, %get3A_36] : memref<1x2048xf32, #tpu.memory_space<vmem>>, vector<1x2048xf32>
      %add3A_38 = arith.addf %get3A_37, %broadcast_in_dim3A : vector<1x2048xf32>
      %swap3A_39 = arith.constant 0 : index
      %swap3A_40 = arith.constant 0 : index
      %swap3A_41 = vector.load %arg7[%swap3A_39, %swap3A_40] : memref<1x2048xf32, #tpu.memory_space<vmem>>, vector<1x2048xf32>
      tpu.vector_store %arg7[%swap3A_39, %swap3A_40], %add3A_38 {strides = array<i32>} : memref<1x2048xf32, #tpu.memory_space<vmem>>, vector<1x2048xf32>,
    } else {
    }
    %ge3A = arith.constant 1 : i32
    %ge3A_6 = arith.cmpi sge, %arg0, %ge3A : i32
    %lt3A_7 = arith.constant 5 : i32
    %lt3A_8 = arith.cmpi slt, %arg0, %lt3A_7 : i32
    %and3A = arith.andi %ge3A_6, %lt3A_8 : i1
    %convert_element_type3A_9 = arith.extui %and3A : i1 to i32
    %cond3A_10 = arith.constant 0 : i32
    %cond3A_11 = arith.cmpi ne, %convert_element_type3A_9, %cond3A_10 : i32
    scf.if %cond3A_11 {
      %get3A_17 = arith.constant 0 : index
      %get3A_18 = arith.constant 0 : index
      %get3A_19 = vector.load %arg2[%get3A_17, %get3A_18] : memref<2048x1xf32, #tpu.memory_space<vmem>>, vector<2048x1xf32>
      %add3A = vector.broadcast %sub3A_3 : vector<1x2048xf32> to vector<2048x2048xf32>
      %add3A_20 = vector.broadcast %get3A_19 : vector<2048x1xf32> to vector<2048x2048xf32>
      %add3A_21 = arith.addf %add3A, %add3A_20 : vector<2048x2048xf32>
      %max3A = arith.constant 0.000000e+00 : f32
      %max3A_22 = vector.broadcast %max3A : f32 to vector<2048x2048xf32>
      %max3A_23 = arith.maximumf %add3A_21, %max3A_22 : vector<2048x2048xf32>
      %get3A_24 = arith.constant 0 : index
      %get3A_25 = arith.constant 0 : index
      %get3A_26 = vector.load %arg6[%get3A_24, %get3A_25] : memref<1x2048xf32, #tpu.memory_space<vmem>>, vector<1x2048xf32>
      %mul3A = arith.mulf %max3A_23, %max3A_23 : vector<2048x2048xf32>
      %reduce_sum3A = arith.constant dense<0.000000e+00> : vector<2048xf32>
      %reduce_sum3A_27 = vector.multi_reduction <add>, %mul3A, %reduce_sum3A [0] : vector<2048x2048xf32> to vector<2048xf32>
      %broadcast_in_dim3A = vector.shape_cast %reduce_sum3A_27 : vector<2048xf32> to vector<1x2048xf32>
      %add3A_28 = arith.addf %get3A_26, %broadcast_in_dim3A : vector<1x2048xf32>
      %swap3A = arith.constant 0 : index
      %swap3A_29 = arith.constant 0 : index
      %swap3A_30 = vector.load %arg6[%swap3A, %swap3A_29] : memref<1x2048xf32, #tpu.memory_space<vmem>>, vector<1x2048xf32>
      tpu.vector_store %arg6[%swap3A, %swap3A_29], %add3A_28 {strides = array<i32>} : memref<1x2048xf32, #tpu.memory_space<vmem>>, vector<1x2048xf32>,
    } else {
    }
    %ge3A_12 = arith.constant 5 : i32
    %ge3A_13 = arith.cmpi sge, %arg0, %ge3A_12 : i32
    %convert_element_type3A_14 = arith.extui %ge3A_13 : i1 to i32
    %cond3A_15 = arith.constant 0 : i32
    %cond3A_16 = arith.cmpi ne, %convert_element_type3A_14, %cond3A_15 : i32
    scf.if %cond3A_16 {
      %get3A_17 = arith.constant 0 : index
      %get3A_18 = arith.constant 0 : index
      %get3A_19 = vector.load %arg4[%get3A_17, %get3A_18] : memref<2048x1xi32, #tpu.memory_space<vmem>>, vector<2048x1xi32>
      %get3A_20 = arith.constant 0 : index
      %get3A_21 = arith.constant 0 : index
      %get3A_22 = vector.load %arg5[%get3A_20, %get3A_21] : memref<1x2048xi32, #tpu.memory_space<vmem>>, vector<1x2048xi32>
      %eq3A = vector.broadcast %get3A_19 : vector<2048x1xi32> to vector<2048x2048xi32>
      %eq3A_23 = vector.broadcast %get3A_22 : vector<1x2048xi32> to vector<2048x2048xi32>
      %eq3A_24 = arith.cmpi eq, %eq3A, %eq3A_23 : vector<2048x2048xi32>
      %iota3A = tpu.iota {dimensions = array<i32: 0>} : vector<2048x2048xi32>
      %sub3A_25 = arith.constant 5 : i32
      %sub3A_26 = arith.subi %arg0, %sub3A_25 : i32
      %mul3A = arith.constant 2048 : i32
      %mul3A_27 = arith.muli %sub3A_26, %mul3A : i32
      %add3A = vector.broadcast %mul3A_27 : i32 to vector<2048x2048xi32>
      %add3A_28 = arith.addi %iota3A, %add3A : vector<2048x2048xi32>
      %jit3A = arith.constant -1 : i32
      %broadcast_in_dim3A = vector.broadcast %jit3A : i32 to vector<2048x2048xi32>
      %select_n3A = arith.select %eq3A_24, %add3A_28, %broadcast_in_dim3A : vector<2048x2048xi1>, vector<2048x2048xi32>
      %reduce_max3A = arith.constant dense<-2147483648> : vector<2048xi32>
      %reduce_max3A_29 = vector.multi_reduction <maxsi>, %select_n3A, %reduce_max3A [0] : vector<2048x2048xi32> to vector<2048xi32>
      %broadcast_in_dim3A_30 = vector.shape_cast %reduce_max3A_29 : vector<2048xi32> to vector<1x2048xi32>
      %eq3A_31 = arith.constant 5 : i32
      %eq3A_32 = arith.cmpi eq, %arg0, %eq3A_31 : i32
      %convert_element_type3A_33 = arith.extui %eq3A_32 : i1 to i32
      %cond3A_34 = arith.constant 0 : i32
      %cond3A_35 = arith.cmpi ne, %convert_element_type3A_33, %cond3A_34 : i32
      scf.if %cond3A_35 {
        %swap3A = arith.constant 0 : index
        %swap3A_40 = arith.constant 0 : index
        %swap3A_41 = vector.load %arg8[%swap3A, %swap3A_40] : memref<1x2048xi32, #tpu.memory_space<vmem>>, vector<1x2048xi32>
        tpu.vector_store %arg8[%swap3A, %swap3A_40], %broadcast_in_dim3A_30 {strides = array<i32>} : memref<1x2048xi32, #tpu.memory_space<vmem>>, vector<1x2048xi32>,
      } else {
      }
      %gt3A = arith.constant 5 : i32
      %gt3A_36 = arith.cmpi sgt, %arg0, %gt3A : i32
      %convert_element_type3A_37 = arith.extui %gt3A_36 : i1 to i32
      %cond3A_38 = arith.constant 0 : i32
      %cond3A_39 = arith.cmpi ne, %convert_element_type3A_37, %cond3A_38 : i32
      scf.if %cond3A_39 {
        %get3A_40 = arith.constant 0 : index
        %get3A_41 = arith.constant 0 : index
        %get3A_42 = vector.load %arg8[%get3A_40, %get3A_41] : memref<1x2048xi32, #tpu.memory_space<vmem>>, vector<1x2048xi32>
        %max3A = arith.maxsi %get3A_42, %broadcast_in_dim3A_30 : vector<1x2048xi32>
        %swap3A = arith.constant 0 : index
        %swap3A_43 = arith.constant 0 : index
        %swap3A_44 = vector.load %arg8[%swap3A, %swap3A_43] : memref<1x2048xi32, #tpu.memory_space<vmem>>, vector<1x2048xi32>
        tpu.vector_store %arg8[%swap3A, %swap3A_43], %max3A {strides = array<i32>} : memref<1x2048xi32, #tpu.memory_space<vmem>>, vector<1x2048xi32>,
      } else {
      }
    } else {
    }
    return
  }
  func.func @transform_0(%arg0: i32) -> (i32, i32) {
    %min3A = arith.constant 0 : i32
    %min3A_0 = arith.minsi %arg0, %min3A : i32
    %c0_i32 = arith.constant 0 : i32
    %c0_i32_1 = arith.constant 0 : i32
    return %min3A_0, %c0_i32 : i32, i32
  }
  func.func @transform_1(%arg0: i32) -> (i32, i32) {
    %sub3A = arith.constant 1 : i32
    %sub3A_0 = arith.subi %arg0, %sub3A : i32
    %jit3A = arith.constant 0 : i32
    %jit3A_1 = arith.constant 3 : i32
    %max3A = arith.maxsi %jit3A, %sub3A_0 : i32
    %min3A = arith.minsi %jit3A_1, %max3A : i32
    %c0_i32 = arith.constant 0 : i32
    %c0_i32_2 = arith.constant 0 : i32
    return %min3A, %c0_i32 : i32, i32
  }
  func.func @transform_2(%arg0: i32) -> (i32, i32) {
    %c0_i32 = arith.constant 0 : i32
    %c0_i32_0 = arith.constant 0 : i32
    %c0_i32_1 = arith.constant 0 : i32
    return %c0_i32, %c0_i32_0 : i32, i32
  }
  func.func @transform_3(%arg0: i32) -> (i32, i32) {
    %sub3A = arith.constant 5 : i32
    %sub3A_0 = arith.subi %arg0, %sub3A : i32
    %jit3A = arith.constant 0 : i32
    %jit3A_1 = arith.constant 0 : i32
    %max3A = arith.maxsi %jit3A, %sub3A_0 : i32
    %min3A = arith.minsi %jit3A_1, %max3A : i32
    %c0_i32 = arith.constant 0 : i32
    %c0_i32_2 = arith.constant 0 : i32
    return %min3A, %c0_i32 : i32, i32
  }
  func.func @transform_4(%arg0: i32) -> (i32, i32) {
    %c0_i32 = arith.constant 0 : i32
    %c0_i32_0 = arith.constant 0 : i32
    %c0_i32_1 = arith.constant 0 : i32
    return %c0_i32, %c0_i32_0 : i32, i32
  }
  func.func @transform_5(%arg0: i32) -> (i32, i32) {
    %c0_i32 = arith.constant 0 : i32
    %c0_i32_0 = arith.constant 0 : i32
    %c0_i32_1 = arith.constant 0 : i32
    return %c0_i32, %c0_i32_0 : i32, i32
  }
  func.func @transform_6(%arg0: i32) -> (i32, i32) {
    %c0_i32 = arith.constant 0 : i32
    %c0_i32_0 = arith.constant 0 : i32
    %c0_i32_1 = arith.constant 0 : i32
    return %c0_i32, %c0_i32_0 : i32, i32
  }
  func.func @transform_7(%arg0: i32) -> (i32, i32) {
    %c0_i32 = arith.constant 0 : i32
    %c0_i32_0 = arith.constant 0 : i32
    %c0_i32_1 = arith.constant 0 : i32
    return %c0_i32, %c0_i32_0 : i32, i32
  }
}

module attributes {stable_mosaic.version = 14 : i64} {
  func.func @_combine_body(%arg0: memref<1x2048xf32, #tpu.memory_space<vmem>>, %arg1: memref<1x2048xf32, #tpu.memory_space<vmem>>, %arg2: memref<2048x1xf32, #tpu.memory_space<vmem>>, %arg3: memref<2048x1xf32, #tpu.memory_space<vmem>>, %arg4: memref<1x2048xi32, #tpu.memory_space<vmem>>, %arg5: memref<1x2048xf32, #tpu.memory_space<vmem>>, %arg6: memref<1x2048xf32, #tpu.memory_space<vmem>>, %arg7: memref<1x1xf32, #tpu.memory_space<vmem>>) attributes {dimension_semantics = [], scalar_prefetch = 0 : i64, scratch_operands = 0 : i64, tpu.core_type = #tpu.core_type<tc>} {
    %get3A = arith.constant 0 : index
    %get3A_0 = arith.constant 0 : index
    %get3A_1 = vector.load %arg4[%get3A, %get3A_0] : memref<1x2048xi32, #tpu.memory_space<vmem>>, vector<1x2048xi32>
    %broadcast_in_dim3A = arith.constant 0.000000e+00 : f32
    %broadcast_in_dim3A_2 = vector.broadcast %broadcast_in_dim3A : f32 to vector<1x2048xf32>
    %broadcast_in_dim3A_3 = arith.constant 0.000000e+00 : f32
    %broadcast_in_dim3A_4 = vector.broadcast %broadcast_in_dim3A_3 : f32 to vector<1x2048xf32>
    %iota3A = tpu.iota {dimensions = array<i32: 0>} : vector<2048x2048xi32>
    %add3A = arith.constant 0 : i32
    %add3A_5 = vector.broadcast %add3A : i32 to vector<2048x2048xi32>
    %add3A_6 = arith.addi %iota3A, %add3A_5 : vector<2048x2048xi32>
    %eq3A = vector.broadcast %get3A_1 : vector<1x2048xi32> to vector<2048x2048xi32>
    %eq3A_7 = arith.cmpi eq, %add3A_6, %eq3A : vector<2048x2048xi32>
    %get3A_8 = arith.constant 0 : index
    %get3A_9 = arith.constant 0 : index
    %get3A_10 = vector.load %arg2[%get3A_8, %get3A_9] : memref<2048x1xf32, #tpu.memory_space<vmem>>, vector<2048x1xf32>
    %jit3A = arith.constant 0.000000e+00 : f32
    %broadcast_in_dim3A_11 = vector.shape_cast %get3A_10 : vector<2048x1xf32> to vector<2048x1xf32>
    %broadcast_in_dim3A_12 = vector.broadcast %broadcast_in_dim3A_11 : vector<2048x1xf32> to vector<2048x2048xf32>
    %broadcast_in_dim3A_13 = vector.broadcast %jit3A : f32 to vector<2048x2048xf32>
    %select_n3A = arith.select %eq3A_7, %broadcast_in_dim3A_12, %broadcast_in_dim3A_13 : vector<2048x2048xi1>, vector<2048x2048xf32>
    %reduce_sum3A = arith.constant dense<0.000000e+00> : vector<2048xf32>
    %reduce_sum3A_14 = vector.multi_reduction <add>, %select_n3A, %reduce_sum3A [0] : vector<2048x2048xf32> to vector<2048xf32>
    %broadcast_in_dim3A_15 = vector.shape_cast %reduce_sum3A_14 : vector<2048xf32> to vector<1x2048xf32>
    %add3A_16 = arith.addf %broadcast_in_dim3A_2, %broadcast_in_dim3A_15 : vector<1x2048xf32>
    %get3A_17 = arith.constant 0 : index
    %get3A_18 = arith.constant 0 : index
    %get3A_19 = vector.load %arg3[%get3A_17, %get3A_18] : memref<2048x1xf32, #tpu.memory_space<vmem>>, vector<2048x1xf32>
    %jit3A_20 = arith.constant 0.000000e+00 : f32
    %broadcast_in_dim3A_21 = vector.shape_cast %get3A_19 : vector<2048x1xf32> to vector<2048x1xf32>
    %broadcast_in_dim3A_22 = vector.broadcast %broadcast_in_dim3A_21 : vector<2048x1xf32> to vector<2048x2048xf32>
    %broadcast_in_dim3A_23 = vector.broadcast %jit3A_20 : f32 to vector<2048x2048xf32>
    %select_n3A_24 = arith.select %eq3A_7, %broadcast_in_dim3A_22, %broadcast_in_dim3A_23 : vector<2048x2048xi1>, vector<2048x2048xf32>
    %reduce_sum3A_25 = arith.constant dense<0.000000e+00> : vector<2048xf32>
    %reduce_sum3A_26 = vector.multi_reduction <add>, %select_n3A_24, %reduce_sum3A_25 [0] : vector<2048x2048xf32> to vector<2048xf32>
    %broadcast_in_dim3A_27 = vector.shape_cast %reduce_sum3A_26 : vector<2048xf32> to vector<1x2048xf32>
    %add3A_28 = arith.addf %broadcast_in_dim3A_4, %broadcast_in_dim3A_27 : vector<1x2048xf32>
    %get3A_29 = arith.constant 0 : index
    %get3A_30 = arith.constant 0 : index
    %get3A_31 = vector.load %arg5[%get3A_29, %get3A_30] : memref<1x2048xf32, #tpu.memory_space<vmem>>, vector<1x2048xf32>
    %mul3A = arith.constant 1.000000e-01 : f32
    %mul3A_32 = vector.broadcast %mul3A : f32 to vector<1x2048xf32>
    %mul3A_33 = arith.mulf %mul3A_32, %get3A_31 : vector<1x2048xf32>
    %mul3A_34 = arith.constant 9.76562514E-5 : f32
    %mul3A_35 = vector.broadcast %mul3A_34 : f32 to vector<1x2048xf32>
    %mul3A_36 = arith.mulf %add3A_16, %mul3A_35 : vector<1x2048xf32>
    %mul3A_37 = arith.constant 0.899999976 : f32
    %mul3A_38 = vector.broadcast %mul3A_37 : f32 to vector<1x2048xf32>
    %mul3A_39 = arith.mulf %mul3A_38, %mul3A_36 : vector<1x2048xf32>
    %add3A_40 = arith.addf %mul3A_33, %mul3A_39 : vector<1x2048xf32>
    %get3A_41 = arith.constant 0 : index
    %get3A_42 = arith.constant 0 : index
    %get3A_43 = vector.load %arg6[%get3A_41, %get3A_42] : memref<1x2048xf32, #tpu.memory_space<vmem>>, vector<1x2048xf32>
    %mul3A_44 = arith.constant 1.000000e-01 : f32
    %mul3A_45 = vector.broadcast %mul3A_44 : f32 to vector<1x2048xf32>
    %mul3A_46 = arith.mulf %mul3A_45, %get3A_43 : vector<1x2048xf32>
    %mul3A_47 = arith.constant 9.76562514E-5 : f32
    %mul3A_48 = vector.broadcast %mul3A_47 : f32 to vector<1x2048xf32>
    %mul3A_49 = arith.mulf %add3A_28, %mul3A_48 : vector<1x2048xf32>
    %mul3A_50 = arith.constant 0.899999976 : f32
    %mul3A_51 = vector.broadcast %mul3A_50 : f32 to vector<1x2048xf32>
    %mul3A_52 = arith.mulf %mul3A_51, %mul3A_49 : vector<1x2048xf32>
    %add3A_53 = arith.addf %mul3A_46, %mul3A_52 : vector<1x2048xf32>
    %get3A_54 = arith.constant 0 : index
    %get3A_55 = arith.constant 0 : index
    %get3A_56 = vector.load %arg0[%get3A_54, %get3A_55] : memref<1x2048xf32, #tpu.memory_space<vmem>>, vector<1x2048xf32>
    %mul3A_57 = arith.mulf %add3A_53, %get3A_56 : vector<1x2048xf32>
    %get3A_58 = arith.constant 0 : index
    %get3A_59 = arith.constant 0 : index
    %get3A_60 = vector.load %arg1[%get3A_58, %get3A_59] : memref<1x2048xf32, #tpu.memory_space<vmem>>, vector<1x2048xf32>
    %mul3A_61 = arith.mulf %add3A_40, %get3A_60 : vector<1x2048xf32>
    %sub3A = arith.subf %mul3A_57, %mul3A_61 : vector<1x2048xf32>
    %mul3A_62 = arith.mulf %add3A_40, %add3A_40 : vector<1x2048xf32>
    %div3A = arith.divf %sub3A, %mul3A_62 : vector<1x2048xf32>
    %reduce_sum3A_63 = arith.constant dense<0.000000e+00> : vector<1xf32>
    %reduce_sum3A_64 = vector.multi_reduction <add>, %div3A, %reduce_sum3A_63 [1] : vector<1x2048xf32> to vector<1xf32>
    %broadcast_in_dim3A_65 = vector.shape_cast %reduce_sum3A_64 : vector<1xf32> to vector<1x1xf32>
    %mul3A_66 = arith.constant 4.76837165E-8 : f32
    %mul3A_67 = vector.broadcast %mul3A_66 : f32 to vector<1x1xf32>
    %mul3A_68 = arith.mulf %broadcast_in_dim3A_65, %mul3A_67 : vector<1x1xf32>
    %swap3A = arith.constant 0 : index
    %swap3A_69 = arith.constant 0 : index
    %swap3A_70 = vector.load %arg7[%swap3A, %swap3A_69] : memref<1x1xf32, #tpu.memory_space<vmem>>, vector<1x1xf32>
    tpu.vector_store %arg7[%swap3A, %swap3A_69], %mul3A_68 {strides = array<i32>} : memref<1x1xf32, #tpu.memory_space<vmem>>, vector<1x1xf32>,
    return
  }
}

</mosaic_0001>

<sc_bundles>
// kernel: kernel.5.cloned.1.call-start
scs
__scs_entry_jumppad:
0x0: {  	(pc) =	sbr.rel $0x88, $3  }
0x1: {  	(tag) =	ssettag $0x0;
	lr =	simm.s32 $0x1  }
0x2: {  	[smem:$0x3F9C] =	sst lr;
	_ =	strace $0xD0000000  }
0x3: {  	_ = 	snop  }
0x4: {  	_ = 	snop  }
0x5: {  	_ = 	snop  }
0x6: {  	_ = 	snop  }
0x7: {  	_ = 	snop  }
__scs_overlays_trampoline_lowered:
0x8: {  	[smem:$0x3FAB] =	sst s0  }
0x9: {  	[smem:$0x3FAC] =	sst s1  }
0xa: {  	[smem:$0x3FAD] =	sst s2  }
0xb: {  	[smem:$0x3FAE] =	sst s3  }
0xc: {  	[smem:$0x3FAF] =	sst s4  }
0xd: {  	[smem:$0x3FB0] =	sst s5  }
0xe: {  	[smem:$0x3FB1] =	sst s6  }
0xf: {  	[smem:$0x3FB2] =	sst s7  }
0x10: {  	[smem:$0x3FB3] =	sst s8  }
0x11: {  	[smem:$0x3FB4] =	sst s9;
	s0 =	simm.s32 @!p0 $0x0  }
0x12: {  	s1 =	sld [smem:$0x3F9A];
	s0 =	simm.s32 @p0 $0x1  }
0x13: {  	[smem:$0x3FB5] =	sst s0;
	s0 =	simm.s32 @!p1 $0x0  }
0x14: {  	s2 =	sld [smem:$0x3F99];
	s0 =	simm.s32 @p1 $0x1  }
0x15: {  	[smem:$0x3FB6] =	sst s0;
	s0 =	simm.s32 @!p2 $0x0  }
0x16: {  	s3 =	sld [smem:$0x3FDB];
	s0 =	simm.s32 @p2 $0x1  }
0x17: {  	s4 =	simm.s32 $0x1BF5;
	[smem:$0x3FB8] =	sst s0  }
0x18: {  	s0 =	sld [smem:$0x3F9B];
	_ =	swait.ge [sflag:s4], $0x0  }
0x19: {  	s7 =	sld [smem:$0x3F9C]  }
0x1a: {  	s8 =	sadd.s32 $0xFFFFE003, lr  }
0x1b: {  	s9 =	sadd.s32 $0xFFFFFEF7, lr;
	s5 =	simm.s32 $0xFFFFFFFF;
	p2 =	slt.u32 s8, $0xFFFFF086  }
0x1c: {  	p1 =	slt.u32 s9, $0xF7A;
	s5 =	simm.s32 @!p2 $0x0  }
0x1d: {  	s5 =	simm.s32 @p1 $0x1;
	p0 =	seq.s32 s7, s2  }
0x1e: {  	s7 =	smul.u32 @!p0 $0xF7A, s2;
	p2 =	seq.s32 @!p0 s5, $0x0  }
0x1f: {  	s9 =	smul.u32 $0xF7A, s1;
	s8 =	simm.s32 @!p0 $0x1BF5;
	p2 =	por !p2, p0  }
0x20: {  	[sflag:s8] =	ssyncset.s32 @!p0 $0xFFFFF086;
	s6 =	sadd.s32 @!p0 s3, s7;
	s7 =	simm.s32 @!p0 $0x108  }
0x21: {  	s3 =	sadd.s32 s3, s9;
	s6 =	sadd.s32 @!p0 $0x88, s6;
	s7 =	simm.s32 @p2 $0x1082  }
0x22: {  	[simem:s7], [sflag:s8] =	dma.local @!p0 [hbm:s6], $0xF7A  }
0x23: {  	s9 =	sor.u32 $0xD0000000, s2;
	s6 =	simm.s32 $0x108;
	_ =	swait.ge @!p0 [sflag:s8], $0x0  }
0x24: {  	s3 =	sadd.s32 $0x88, s3;
	s6 =	simm.s32 @!p1 $0x1082;
	[sflag:s4] =	ssyncset.s32 $0xFFFFF086  }
0x25: {  	[simem:s6], [sflag:s4] =	dma.local [hbm:s3], $0xF7A  }
0x26: {  	[smem:$0x3F9C] =	sst s1;
	(tag) =	ssettag s2;
	_ =	strace s9  }
0x27: {  	s1 =	sld [smem:$0x3FAC]  }
0x28: {  	s2 =	sld [smem:$0x3FAD]  }
0x29: {  	s4 =	sld [smem:$0x3FAF]  }
0x2a: {  	p0 =	seq.s32 s5, $0x0;
	s5 =	sld [smem:$0x3FB0]  }
0x2b: {  	s6 =	sld [smem:$0x3FB1]  }
0x2c: {  	s7 =	sld [smem:$0x3FB2]  }
0x2d: {  	s3 =	simm.s32 $0x108;
	s8 =	sld [smem:$0x3FB3]  }
0x2e: {  	s3 =	simm.s32 @!p0 $0x1082;
	s9 =	sld [smem:$0x3FB4]  }
0x2f: {  	lr =	sadd.s32 s0, s3;
	s0 =	sld [smem:$0x3FAB]  }
0x30: {  	s3 =	sld [smem:$0x3FAE]  }
0x31: {  	[smem:$0x3FB7] =	sst s10  }
0x32: {  	s10 =	sld [smem:$0x3FB5];
	_ =	sdelay $0x3  }
0x33: {  	p0 =	seq.s32 s10, $0x1;
	s10 =	sld [smem:$0x3FB7];
	_ =	sdelay $0x3  }
0x34: {  	[smem:$0x3FB7] =	sst s10  }
0x35: {  	s10 =	sld [smem:$0x3FB6];
	_ =	sdelay $0x3  }
0x36: {  	p1 =	seq.s32 s10, $0x1;
	s10 =	sld [smem:$0x3FB7];
	_ =	sdelay $0x3  }
0x37: {  	[smem:$0x3FB7] =	sst s10  }
0x38: {  	s10 =	sld [smem:$0x3FB8]  }
0x39: {  	_ = 	snop;
	(pc) =	sbr.ind lr, $3  }
0x3a: {  	_ = 	snop  }
0x3b: {  	_ = 	snop  }
0x3c: {  	p2 =	seq.s32 s10, $0x1;
	s10 =	sld [smem:$0x3FB7]  }
0x3d: {  	_ =	shalt  }
0x3e: {  	_ =	shalt  }
0x3f: {  	_ =	shalt  }
0x40: {  	_ =	shalt  }
0x41: {  	_ =	shalt  }
0x42: {  	_ =	shalt  }
0x43: {  	_ =	shalt  }
0x44: {  	_ =	shalt  }
0x45: {  	_ =	shalt  }
0x46: {  	_ =	shalt  }
0x47: {  	_ =	shalt  }
0x48: {  	_ =	shalt  }
0x49: {  	_ =	shalt  }
0x4a: {  	_ =	shalt  }
0x4b: {  	_ =	shalt  }
0x4c: {  	_ =	shalt  }
0x4d: {  	_ =	shalt  }
0x4e: {  	_ =	shalt  }
0x4f: {  	_ =	shalt  }
0x50: {  	_ =	shalt  }
0x51: {  	_ =	shalt  }
0x52: {  	_ =	shalt  }
0x53: {  	_ =	shalt  }
0x54: {  	_ =	shalt  }
0x55: {  	_ =	shalt  }
0x56: {  	_ =	shalt  }
0x57: {  	_ =	shalt  }
0x58: {  	_ =	shalt  }
0x59: {  	_ =	shalt  }
0x5a: {  	_ =	shalt  }
0x5b: {  	_ =	shalt  }
0x5c: {  	_ =	shalt  }
0x5d: {  	_ =	shalt  }
0x5e: {  	_ =	shalt  }
0x5f: {  	_ =	shalt  }
0x60: {  	_ =	shalt  }
0x61: {  	_ =	shalt  }
0x62: {  	_ =	shalt  }
0x63: {  	_ =	shalt  }
0x64: {  	_ =	shalt  }
0x65: {  	_ =	shalt  }
0x66: {  	_ =	shalt  }
0x67: {  	_ =	shalt  }
0x68: {  	_ =	shalt  }
0x69: {  	_ =	shalt  }
0x6a: {  	_ =	shalt  }
0x6b: {  	_ =	shalt  }
0x6c: {  	_ =	shalt  }
0x6d: {  	_ =	shalt  }
0x6e: {  	_ =	shalt  }
0x6f: {  	_ =	shalt  }
0x70: {  	_ =	shalt  }
0x71: {  	_ =	shalt  }
0x72: {  	_ =	shalt  }
0x73: {  	_ =	shalt  }
0x74: {  	_ =	shalt  }
0x75: {  	_ =	shalt  }
0x76: {  	_ =	shalt  }
0x77: {  	_ =	shalt  }
0x78: {  	_ =	shalt  }
0x79: {  	_ =	shalt  }
0x7a: {  	_ =	shalt  }
0x7b: {  	_ =	shalt  }
0x7c: {  	_ =	shalt  }
0x7d: {  	_ =	shalt  }
0x7e: {  	_ =	shalt  }
0x7f: {  	_ =	shalt  }
0x80: {  	_ =	shalt  }
0x81: {  	_ =	shalt  }
0x82: {  	_ =	shalt  }
0x83: {  	_ =	shalt  }
0x84: {  	_ =	shalt  }
0x85: {  	_ =	shalt  }
0x86: {  	_ =	shalt  }
0x87: {  	_ =	shalt  }
.Lfunc_end0:
.L_simem_size_0:
called_computation_lowered:
.L_overlay_start_0:
0x88: {  	s2 =	sld [smem:$0x3FD9]  }
0x89: {  	s3 =	sld [smem:$0x3FFE];
	_ =	sdelay $0x1  }
0x8a: {  	s1 =	srdreg.scid  }
0x8b: {  	s0 =	sand.u32 $0x1, s1  }
0x8c: {  	s17 =	sshll.u32 s0, $0xA;
	s2 =	sadd.s32 s3, s2  }
0x8d: {  	s2 =	sadd.s32 s2, s17  }
0x8e: {  	[smem:$0x3FC3] =	sst s2  }
0x8f: {  	_ = 	snop  }
0x90: {  	s2 =	sld [smem:$0x3FC7];
	(tm) =	ssettm $0x1  }
0x91: {  	s18 =	sld [smem:$0x3FFB];
	_ =	sdelay $0x3  }
0x92: {  	_ =	strace s18  }
0x93: {  	s3 =	sld [smem:$0x3FFC];
	_ =	sdelay $0x3  }
0x94: {  	_ =	strace s3  }
0x95: {  	s3 =	sld [smem:$0x3FFD];
	_ =	sdelay $0x3  }
0x96: {  	_ =	strace s3  }
0x97: {  	_ =	strace $0x8FFFFFFF  }
0x98: {  	s19 =	sld [smem:$0x3FDB];
	_ =	sdelay $0x1  }
0x99: {  	s4 =	simm.s32 $_scs_section_size  }
0x9a: {  	s5 =	simm.s32 $_size__tile_overlayer_lowered;
	s6 =	simm.s32 $_tile_overlayer_lowered  }
0x9b: {  	s22 =	simm.s32 $0x1BFF;
	s21 =	sshll.u32 s6, $0x1;
	s3 =	sadd.s32 s4, s19  }
0x9c: {  	s7 =	simm.s32 $0x0;
	s20 =	sshll.u32 s5, $0x1;
	s5 =	sadd.s32 s21, s3  }
0x9d: {  	[timem:s7], [sflag:s22] =	dma.local [hbm:s5], s20  }
0x9e: {  	_ =	swait.ge [sflag:s22], s20  }
0x9f: {  	s4 =	ssub.s32 $0x0, s20;
	[sflag:s22] =	ssyncset.done $0x0  }
0xa0: {  	[sflag:s22] =	ssyncadd.s32 s4;
	_ =	sdelay $0x1  }
0xa1: {  	s23 =	simm.s32 $0x1B8B  }
0xa2: {  	_ =	swait.ge [sflag:s23], $0x1  }
0xa3: {  	[sflag:s23] =	ssyncset.done $0x0  }
0xa4: {  	s25 =	simm.s32 $0x1B8E;
	s24 =	sld [smem:$0x3FFE];
	[sflag:s23] =	ssyncadd.s32 $0xFFFFFFFF  }
0xa5: {  	s26 =	simm.s32 $execute0_lowered;
	[smem:$0x3FD2] =	sst s25  }
0xa6: {  	s5 =	sshll.u32 s26, $0x1;
	_ =	strace $0x80000046;
	[dreg:$0x1] =	wrdreg $0xFFFFFFFF  }
0xa7: {  	s28 =	simm.s32 $_size_execute0_lowered;
	s3 =	sadd.s32 s3, s5;
	[dreg:$0x0] =	wrdreg $0x0  }
0xa8: {  	s5 =	sshll.u32 s28, $0x1;
	[dreg:$0x2] =	wrdreg s3  }
0xa9: {  	[dreg:$0x3] =	wrdreg s5  }
0xaa: {  	[dreg:$0x4] =	wrdreg $0xC0  }
0xab: {  	_ =	task [dreg:s7], $0x5FFFF  }
0xac: {  	[dreg:$0x1] =	wrdreg $0xFFFFFFFF  }
0xad: {  	[dreg:$0x0] =	wrdreg $0x60  }
0xae: {  	[dreg:$0x2] =	wrdreg s2  }
0xaf: {  	[dreg:$0x3] =	wrdreg s24  }
0xb0: {  	[dreg:$0x4] =	wrdreg $0x9  }
0xb1: {  	_ =	task.clear_ibuf [dreg:s7], $0x5FFFF;
	_ =	strace $0x90000046  }
0xb2: {  	s29 =	simm.s32 $0x9;
	_ =	strace $0x80000048  }
0xb3: {  	_ =	swait.ge [sflag:s29], $0x1  }
0xb4: {  	[sflag:s29] =	ssyncadd.s32 $0xFFFFFFFF  }
0xb5: {  	_ =	strace $0x90000048  }
0xb6: {  	_ =	sfence  }
0xb7: {  	s30 =	sld [smem:$0x0];
	_ =	sdelay $0x2  }
0xb8: {  	s31 =	sshll.u32 s1, $0xD;
	s1 =	sshrl.u32 s1, $0x2  }
0xb9: {  	s3 =	sand.u32 $0x4000, s31;
	s1 =	sadd.s32 s1, s30  }
0xba: {  	s0 =	sor.u32 s3, s0;
	s1 =	sshll.u32 s1, $0x11  }
0xbb: {  	s0 =	sor.u32 s1, s0  }
0xbc: {  	s0 =	sadd.s32 $0x8F2B, s0  }
0xbd: {  	[sflag:s0] =	ssyncadd.remote.s32 $0x1  }
0xbe: {  	_ =	sfence.sel $0xFFFF  }
0xbf: {  	[dreg:$0x0] =	wrdreg $0xFFFFFFFF;
	(pc) =	sbr.abs _section_cstart, $3  }
0xc0: {  	[dreg:$0x1] =	wrdreg $0xFFFFFFFF  }
0xc1: {  	_ =	task.clear_ibuf [dreg:s7], $0x2FFFF;
	_ =	strace $0x9FFFFFFF  }
0xc2: {  	(tm) =	ssettm $0x7FFFFFFF  }
0xc3: {  	_ =	shalt  }
tec
execute0_lowered:
.L_overlay_start_1:
0x0: {  	(tag) =	ssettag $0x1  }
0x1: {  	s3 =	rddreg [dreg:$0x0]  }
0x2: {  	s11 =	rddreg [dreg:$0x1];
	s2 =	srdreg.scid  }
0x3: {  	s0 =	rddreg [dreg:$0x2];
	s1 =	stileid.u32;
	s12 =	sand.u32 $0x1, s2  }
0x4: {  	s2 =	simm.s32 $0x0;
	s4 =	sshll.u32 s1, $0x4;
	s5 =	sshll.u32 s12, $0x3  }
0x5: {  	[smem:$0x7FF] =	sst s2;
	s13 =	sor.u32 s5, s4  }
0x6: {  	_ =	strace $0x80000047;
	s4 =	sadd.s32 s3, s13;
	s3 =	simm.s32 $0x2  }
0x7: {  	[tilespmem:s2], [sflag:$0x2] =	stream.linear.gather [hbm4b:s4+s2], $0x40, $0x38;
	[tilespmem:$0x180] =	vst v63  }
0x8: {  	_ =	swait.ge [sflag:s3], $0x40  }
0x9: {  	s6 =	simm.s32 $0x40;
	s7 =	simm.s32 $0x80;
	[sflag:s3] =	ssyncset.done $0x0  }
0xa: {  	s8 =	simm.s32 $0x1;
	s5 =	sadd.s32 $0x800, s11;
	[sflag:s3] =	ssyncadd.s32 $0xFFFFFFC0  }
0xb: {  	[tilespmem:s7], [sflag:$0x1] =	stream.indirect.gather [hbm4b:s5+s6], $0x1, s2, s6, $0xb8;
	[tilespmem:$0x180] =	vst v63  }
0xc: {  	_ =	swait.ge [sflag:s8], $0x40  }
0xd: {  	s10 =	simm.s32 $0x100;
	[sflag:s8] =	ssyncset.done $0x0  }
0xe: {  	s9 =	sadd.s32 $0x3A00, s11;
	s12 =	ssub.s32 $0x2, s12;
	[sflag:s8] =	ssyncadd.s32 $0xFFFFFFC0  }
0xf: {  	[tilespmem:s10], [sflag:$0x1] =	stream.indirect.gather [hbm4b:s9+s6], $0x1, s2, s6, $0xb8;
	[tilespmem:$0x180] =	vst v63  }
0x10: {  	s14 =	sshrl.u32 s12, $0x1;
	_ =	swait.ge [sflag:s8], $0x40  }
0x11: {  	s13 =	sadd.s32 s13, s11;
	s14 =	ssub.s32 s12, s14;
	[sflag:s8] =	ssyncset.done $0x0  }
0x12: {  	s11 =	sadd.s32 $0x6C00, s13;
	s31 =	smax.u32 s14, $0x1;
	[sflag:s8] =	ssyncadd.s32 $0xFFFFFFC0  }
0x13: {  	[hbm4b:s11+s2] =	stream.linear.scatter [tilespmem:s7], [sflag:$0x2], $0x40, $0x38;
	[tilespmem:$0x180] =	vst v63  }
0x14: {  	p0 =	sne.s32 s31, $0x1;
	_ =	swait.ge [sflag:s3], $0x40  }
.Ltmp0:
0x15: {  	[sflag:s3] =	ssyncset.done $0x0;
	(pc) =	sbr.rel @!p0 .LBB2_2-.Ltmp0, $4  }
0x16: {  	s12 =	sadd.s32 $0x6E00, s13;
	[sflag:s3] =	ssyncadd.s32 $0xFFFFFFC0  }
0x17: {  	[hbm4b:s12+s2] =	stream.linear.scatter [tilespmem:s10], [sflag:$0x2], $0x40, $0x38;
	[tilespmem:$0x180] =	vst v63  }
0x18: {  	_ =	swait.ge [sflag:s3], $0x40  }
0x19: {  	s13 =	sadd.s32 $0xFFFFFFFF, s31;
	[sflag:s3] =	ssyncset.done $0x0  }
.LBB2_1:
0x1a: {  	p0 =	sne.s32 s13, $0x1;
	s13 =	sadd.s32 $0xFFFFFFFF, s13;
	[sflag:s3] =	ssyncadd.s32 $0xFFFFFFC0  }
0x1b: {  	[tilespmem:s2], [sflag:$0x2] =	stream.linear.gather [hbm4b:s4+s2], $0x40, $0x38;
	[tilespmem:$0x180] =	vst v63  }
0x1c: {  	_ =	swait.ge [sflag:s3], $0x40  }
0x1d: {  	[sflag:s3] =	ssyncset.done $0x0  }
0x1e: {  	[sflag:s3] =	ssyncadd.s32 $0xFFFFFFC0  }
0x1f: {  	[tilespmem:s7], [sflag:$0x1] =	stream.indirect.gather [hbm4b:s5+s6], $0x1, s2, s6, $0xb8;
	[tilespmem:$0x180] =	vst v63  }
0x20: {  	_ =	swait.ge [sflag:s8], $0x40  }
0x21: {  	[sflag:s8] =	ssyncset.done $0x0  }
0x22: {  	[sflag:s8] =	ssyncadd.s32 $0xFFFFFFC0  }
0x23: {  	[tilespmem:s10], [sflag:$0x1] =	stream.indirect.gather [hbm4b:s9+s6], $0x1, s2, s6, $0xb8;
	[tilespmem:$0x180] =	vst v63  }
0x24: {  	_ =	swait.ge [sflag:s8], $0x40  }
0x25: {  	[sflag:s8] =	ssyncset.done $0x0  }
0x26: {  	[sflag:s8] =	ssyncadd.s32 $0xFFFFFFC0  }
0x27: {  	[hbm4b:s11+s2] =	stream.linear.scatter [tilespmem:s7], [sflag:$0x2], $0x40, $0x38;
	[tilespmem:$0x180] =	vst v63  }
0x28: {  	_ =	swait.ge [sflag:s3], $0x40  }
.Ltmp1:
0x29: {  	[sflag:s3] =	ssyncset.done $0x0;
	(pc) =	sbr.rel @p0 .LBB2_1-.Ltmp1, $4  }
0x2a: {  	[sflag:s3] =	ssyncadd.s32 $0xFFFFFFC0  }
0x2b: {  	[hbm4b:s12+s2] =	stream.linear.scatter [tilespmem:s10], [sflag:$0x2], $0x40, $0x38;
	[tilespmem:$0x180] =	vst v63  }
0x2c: {  	_ =	swait.ge [sflag:s3], $0x40  }
0x2d: {  	[sflag:s3] =	ssyncset.done $0x0  }
.LBB2_2:
0x2e: {  	[sflag:s3] =	ssyncadd.s32 $0xFFFFFFC0  }
0x2f: {  	_ =	sfence.sel $0x180000  }
0x30: {  	[bflag:$0x0] =	sbarrier.arrive $0xFFFF  }
0x31: {  	p0 =	sne.s32 s1, $0x0;
	_ =	strace $0x90000047  }
0x32: {  	s0 =	sadd.s32 @!p0 $0x100000, s0;
	[bflag:$0x2] =	sbarrier.arrive $0xFFFF  }
0x33: {  	[sflag:s0] =	ssyncadd.tile.s32 @!p0 $0x1;
	_ =	shalt  }
.Lfunc_end2:
_tile_overlayer_lowered:
.L_overlay_start_2:
0x34: {  	(tag) =	ssettag $0x2  }
0x35: {  	s0 =	rddreg [dreg:$0x0];
	s2 =	stileid.u32  }
0x36: {  	s1 =	rddreg [dreg:$0x1];
	p0 =	sne.s32 s2, $0x0  }
0x37: {  	s3 =	rddreg [dreg:$0x2];
	[bflag:$0x3] =	sbarrier.arrive $0xFFFF;
	s2 =	simm.s32 @!p0 $0x1C02  }
0x38: {  	[timem:s3], [sflag:s2] =	dma.local @!p0 [hbm:s0], s1  }
0x39: {  	s0 =	simm.s32 @!p0 $0x2  }
0x3a: {  	_ =	swait.ge @!p0 [sflag:s0], s1  }
0x3b: {  	s1 =	ssub.s32 @!p0 $0x0, s1;
	[sflag:s0] =	ssyncset.done @!p0 $0x0  }
0x3c: {  	[sflag:s0] =	ssyncadd.s32 @!p0 s1  }
0x3d: {  	[bflag:$0x3] =	sbarrier.arrive $0xFFFF  }
0x3e: {  	_ =	shalt  }

</sc_bundles>
